<compile_context>
chip_gen: v7x
topology: tpu7x:2x2x1
jax: 0.10.2.dev20260603
libtpu: 0.0.44.dev20260713+nightly
codegen_flags: <defaults>
</compile_context>

<pallas_src>
import functools

import jax
import jax.numpy as jnp
from jax import lax
from jax.experimental import pallas as pl
from jax.experimental.pallas import tpu as pltpu
from jax.experimental.pallas import tpu_sc as plsc

TB = 1024


def _sc_lengths(mask_flat, B, T):
    mesh = plsc.VectorSubcoreMesh(core_axis_name="c", subcore_axis_name="s")

    @functools.partial(
        pl.kernel,
        mesh=mesh,
        compiler_params=pltpu.CompilerParams(needs_layout_passes=False),
        out_type=[jax.ShapeDtypeStruct((B * 8,), jnp.int32)],
        scratch_types=[
            pltpu.VMEM((T,), jnp.int32),
            pltpu.VMEM((16,), jnp.int32),
        ],
    )
    def body(m_hbm, len_hbm, mbuf, lenbuf):
        c = lax.axis_index("c")
        s = lax.axis_index("s")
        wid = s * 2 + c
        b = wid // 2
        h = wid % 2

        @pl.when(h == 0)
        def _():
            pltpu.sync_copy(m_hbm.at[pl.ds(b * T, T)], mbuf)

            def sbody(i, acc):
                j = i * 64
                return (acc + mbuf[pl.ds(j, 16)] + mbuf[pl.ds(j + 16, 16)]
                        + mbuf[pl.ds(j + 32, 16)] + mbuf[pl.ds(j + 48, 16)])

            acc = lax.fori_loop(0, T // 64, sbody, jnp.zeros((16,), jnp.int32))
            len0 = T - jnp.sum(acc)
            lenbuf[...] = jnp.where(
                lax.broadcasted_iota(jnp.int32, (16,), 0) == 0, len0 + 2, 0)
            pltpu.sync_copy(lenbuf.at[pl.ds(0, 8)], len_hbm.at[pl.ds(b * 8, 8)])

    return body(mask_flat)


def _tc_assemble(x, bos_emb, eos_emb, lengths, B, T, C):
    To = T + 2
    NI = (To + TB - 1) // TB
    NXB = T // TB

    def tc_body(len_ref, cur_ref, bos_ref, eos_ref, out_ref, carry_ref):
        b = pl.program_id(0)
        i = pl.program_id(1)
        p0 = i * TB
        len0 = len_ref[b] - 2
        E = len0 + 1

        def rotated():
            cur = cur_ref[0]
            prev_last = carry_ref[...]
            return jnp.concatenate([prev_last, cur[:TB - 1, :]], axis=0)

        all_copy = (p0 + TB <= E) & (p0 >= 1)
        all_zero = p0 >= E + 2

        @pl.when(all_copy)
        def _():
            out_ref[0] = rotated()

        @pl.when(all_zero)
        def _():
            out_ref[0] = jnp.zeros((TB, C), jnp.float32)

        @pl.when(jnp.logical_not(all_copy | all_zero))
        def _():
            rows = p0 + lax.broadcasted_iota(jnp.int32, (TB, C), 0)
            shifted = rotated()
            keep = (rows >= 1) & (rows <= len0)
            val = jnp.where(keep, shifted, 0.0)
            val = jnp.where(rows == E,
                            jnp.broadcast_to(eos_ref[:][None, :], (TB, C)), val)
            val = jnp.where(rows == 0,
                            jnp.broadcast_to(bos_ref[:][None, :], (TB, C)), val)
            out_ref[0] = val

        carry_ref[...] = cur_ref[0, TB - 1:TB, :]

    grid_spec = pltpu.PrefetchScalarGridSpec(
        num_scalar_prefetch=1,
        grid=(B, NI),
        in_specs=[
            pl.BlockSpec((1, TB, C),
                         lambda b, i, L: (b, jnp.where(
                             i * TB >= L[b] + 1,
                             jnp.minimum((L[b] - 1) // TB, NXB - 1),
                             jnp.minimum(i, NXB - 1)), 0)),
            pl.BlockSpec((C,), lambda b, i, L: (0,)),
            pl.BlockSpec((C,), lambda b, i, L: (0,)),
        ],
        out_specs=pl.BlockSpec((1, TB, C), lambda b, i, L: (b, i, 0)),
        scratch_shapes=[pltpu.VMEM((1, C), jnp.float32)],
    )
    return pl.pallas_call(
        tc_body,
        grid_spec=grid_spec,
        out_shape=jax.ShapeDtypeStruct((B, To, C), jnp.float32),
        compiler_params=pltpu.CompilerParams(
            dimension_semantics=("parallel", "arbitrary")),
    )(lengths, x, bos_emb, eos_emb)


def kernel(x, bos_emb, eos_emb, padding_mask):
    B, T, C = x.shape
    mask_flat = padding_mask.astype(jnp.int32).reshape(B * T)
    [len_pad] = _sc_lengths(mask_flat, B, T)
    lengths = len_pad.reshape(B, 8)[:, 0]
    xe = _tc_assemble(x, bos_emb, eos_emb, lengths, B, T, C)
    new_padding_mask = jnp.arange(T + 2)[None, :] >= lengths[:, None]
    return (xe, new_padding_mask, lengths)

# --- scband reference (transcript-rebuilt; emitter-appended) ---
"""Pipeline reference for scband-speech-embedder-35416300322958 (READ-ONLY COPY).

The authoritative reference and input builder live on the scoring server;
editing this copy changes nothing except your own understanding.
"""

import jax, jax.numpy as jnp
import numpy as np

B, T, C = 16, 4096, 1024

def setup_inputs(seed: int = 0) -> dict:
    key = jax.random.key(seed)
    k1, k2, k3, k4 = jax.random.split(key, 4)
    x = jax.random.normal(k1, (B, T, C), dtype=jnp.float32)
    lengths = jax.random.randint(k2, (B,), T // 2, T + 1)
    padding_mask = (jnp.arange(T)[None, :] >= lengths[:, None])
    # learned special-token parameters (torch inits these to zeros; small random used
    # here so the scatter/concat datapath is numerically non-trivial)
    bos_emb = jax.random.normal(k3, (C,), dtype=jnp.float32) * 0.02
    eos_emb = jax.random.normal(k4, (C,), dtype=jnp.float32) * 0.02
    return {"x": x, "bos_emb": bos_emb, "eos_emb": eos_emb, "padding_mask": padding_mask}

def reference(x, bos_emb, eos_emb, padding_mask):
    # get_lengths: number of non-padded frames per row
    lengths = (T - padding_mask.sum(axis=1)).astype(jnp.int32)
    # zero out padded positions
    xm = x * (1 - padding_mask[..., None].astype(x.dtype))
    # prepend BOS embedding
    xb = jnp.concatenate([jnp.broadcast_to(bos_emb.reshape(1, 1, -1), (B, 1, C)), xm], axis=1)
    lengths = lengths + 1
    # append a zero frame, then scatter-overwrite EOS at position lengths[i] per row
    xe = jnp.concatenate([xb, jnp.zeros((B, 1, C), dtype=x.dtype)], axis=1)
    xe = xe.at[jnp.arange(B), lengths].set(eos_emb)
    lengths = lengths + 1
    # lengths_to_padding_mask over new length T+2
    new_padding_mask = (jnp.arange(T + 2)[None, :] >= lengths[:, None])
    return (xe, new_padding_mask, lengths)

if __name__ == "__main__":
    import jax
    _d = setup_inputs()
    print(jax.jit(kernel)(*tuple(_d.values())))

</pallas_src>

<mosaic_0001>
#map = affine_map<(d0, d1) -> (0)>
module attributes {stable_mosaic.version = 14 : i64} {
  func.func @body(%arg0: i32, %arg1: i32, %arg2: memref<65536xi32, #tpu.memory_space<hbm>>, %arg3: memref<128xi32, #tpu.memory_space<hbm>>, %arg4: memref<4096xi32, #tpu.memory_space<vmem>>, %arg5: memref<16xi32, #tpu.memory_space<vmem>>) attributes {dimension_semantics = [#tpu.dimension_semantics<core_parallel>, #tpu.dimension_semantics<subcore_parallel>], iteration_bounds = array<i64: 2, 16>, scalar_prefetch = 0 : i64, scratch_operands = 2 : i64, tpu.core_type = #tpu.core_type<sc_vector_subcore>, window_params = [{transform_indices = #map}, {transform_indices = #map}]} {
    %mul3A = arith.constant 2 : i32
    %mul3A_0 = arith.muli %arg1, %mul3A : i32
    %add3A = arith.addi %mul3A_0, %arg0 : i32
    %jit3A = arith.constant 2 : i32
    %div3A = arith.divsi %add3A, %jit3A : i32
    %sign3A = arith.constant 0 : i32
    %sign3A_1 = arith.cmpi sgt, %add3A, %sign3A : i32
    %sign3A_2 = arith.extui %sign3A_1 : i1 to i32
    %sign3A_3 = arith.constant 0 : i32
    %sign3A_4 = arith.cmpi slt, %add3A, %sign3A_3 : i32
    %sign3A_5 = arith.extui %sign3A_4 : i1 to i32
    %sign3A_6 = arith.subi %sign3A_2, %sign3A_5 : i32
    %sign3A_7 = arith.constant 0 : i32
    %sign3A_8 = arith.cmpi sgt, %jit3A, %sign3A_7 : i32
    %sign3A_9 = arith.extui %sign3A_8 : i1 to i32
    %sign3A_10 = arith.constant 0 : i32
    %sign3A_11 = arith.cmpi slt, %jit3A, %sign3A_10 : i32
    %sign3A_12 = arith.extui %sign3A_11 : i1 to i32
    %sign3A_13 = arith.subi %sign3A_9, %sign3A_12 : i32
    %ne3A = arith.cmpi ne, %sign3A_6, %sign3A_13 : i32
    %rem3A = arith.remsi %add3A, %jit3A : i32
    %ne3A_14 = arith.constant 0 : i32
    %ne3A_15 = arith.cmpi ne, %rem3A, %ne3A_14 : i32
    %and3A = arith.andi %ne3A, %ne3A_15 : i1
    %sub3A = arith.constant 1 : i32
    %sub3A_16 = arith.subi %div3A, %sub3A : i32
    %select_n3A = arith.select %and3A, %sub3A_16, %div3A : i32
    %jit3A_17 = arith.constant 2 : i32
    %eq3A = arith.constant 0 : i32
    %eq3A_18 = arith.cmpi eq, %jit3A_17, %eq3A : i32
    %jit3A_19 = arith.constant 1 : i32
    %select_n3A_20 = arith.select %eq3A_18, %jit3A_19, %jit3A_17 : i32
    %rem3A_21 = arith.remsi %add3A, %select_n3A_20 : i32
    %ne3A_22 = arith.constant 0 : i32
    %ne3A_23 = arith.cmpi ne, %rem3A_21, %ne3A_22 : i32
    %lt3A = arith.constant 0 : i32
    %lt3A_24 = arith.cmpi slt, %rem3A_21, %lt3A : i32
    %lt3A_25 = arith.constant 0 : i32
    %lt3A_26 = arith.cmpi slt, %select_n3A_20, %lt3A_25 : i32
    %ne3A_27 = arith.xori %lt3A_24, %lt3A_26 : i1
    %and3A_28 = arith.andi %ne3A_27, %ne3A_23 : i1
    %add3A_29 = arith.addi %rem3A_21, %select_n3A_20 : i32
    %select_n3A_30 = arith.select %and3A_28, %add3A_29, %rem3A_21 : i32
    %eq3A_31 = arith.constant 0 : i32
    %eq3A_32 = arith.cmpi eq, %select_n3A_30, %eq3A_31 : i32
    %convert_element_type3A = arith.extui %eq3A_32 : i1 to i32
    %cond3A = arith.constant 0 : i32
    %cond3A_33 = arith.cmpi ne, %convert_element_type3A, %cond3A : i32
    scf.if %cond3A_33 {
      %mul3A_34 = arith.constant 4096 : i32
      %mul3A_35 = arith.muli %select_n3A, %mul3A_34 : i32
      "tpu.region"() ({
        %run_scoped3A = tpu.sem_alloc : memref<!tpu.dma_semaphore, #tpu.memory_space<semaphore_mem>>
        %dma_start3A = tpu.memref_slice %arg2[%mul3A_35] : memref<65536xi32, #tpu.memory_space<hbm>> -> memref<4096xi32, #tpu.memory_space<hbm>>
        %dma_start3A_59 = tpu.memref_slice %arg2[%mul3A_35] : memref<65536xi32, #tpu.memory_space<hbm>> -> memref<4096xi32, #tpu.memory_space<hbm>>
        tpu.enqueue_dma source(%dma_start3A_59 : memref<4096xi32, #tpu.memory_space<hbm>>) target(%arg4 : memref<4096xi32, #tpu.memory_space<vmem>>) target_semaphore(%run_scoped3A : memref<!tpu.dma_semaphore, #tpu.memory_space<semaphore_mem>>)
        %dma_wait3A = tpu.memref_slice %arg2[%mul3A_35] : memref<65536xi32, #tpu.memory_space<hbm>> -> memref<4096xi32, #tpu.memory_space<hbm>>
        %dma_wait3A_60 = tpu.memref_slice %arg2[%mul3A_35] : memref<65536xi32, #tpu.memory_space<hbm>> -> memref<4096xi32, #tpu.memory_space<hbm>>
        tpu.wait_dma2 semaphore(%run_scoped3A : memref<!tpu.dma_semaphore, #tpu.memory_space<semaphore_mem>>) src(%dma_wait3A_60 : memref<4096xi32, #tpu.memory_space<hbm>>) dst(%arg4 : memref<4096xi32, #tpu.memory_space<vmem>>)
        tpu.yield
      }) : () -> ()
      %broadcast_in_dim3A = arith.constant 0 : i32
      %broadcast_in_dim3A_36 = vector.broadcast %broadcast_in_dim3A : i32 to vector<16xi32>
      %scan3A = arith.constant 0 : i32
      %scan3A_37 = arith.constant 64 : i32
      %scan3A_38 = arith.addi %scan3A, %scan3A_37 : i32
      %scan3A_39 = arith.constant 1 : i32
      %scan3A_40 = scf.for %scan3A_59 = %scan3A to %scan3A_38 step %scan3A_39 iter_args(%scan3A_60 = %broadcast_in_dim3A_36) -> (vector<16xi32>)  : i32 {
        %mul3A_61 = arith.constant 64 : i32
        %mul3A_62 = arith.muli %scan3A_59, %mul3A_61 : i32
        %get3A = arith.index_cast %mul3A_62 : i32 to index
        %get3A_63 = tpu.vector_load %arg4[%get3A] {strides = array<i32>} : memref<4096xi32, #tpu.memory_space<vmem>>, vector<16xi32>,
        %add3A_64 = arith.addi %scan3A_60, %get3A_63 : vector<16xi32>
        %add3A_65 = arith.constant 16 : i32
        %add3A_66 = arith.addi %mul3A_62, %add3A_65 : i32
        %get3A_67 = arith.index_cast %add3A_66 : i32 to index
        %get3A_68 = tpu.vector_load %arg4[%get3A_67] {strides = array<i32>} : memref<4096xi32, #tpu.memory_space<vmem>>, vector<16xi32>,
        %add3A_69 = arith.addi %add3A_64, %get3A_68 : vector<16xi32>
        %add3A_70 = arith.constant 32 : i32
        %add3A_71 = arith.addi %mul3A_62, %add3A_70 : i32
        %get3A_72 = arith.index_cast %add3A_71 : i32 to index
        %get3A_73 = tpu.vector_load %arg4[%get3A_72] {strides = array<i32>} : memref<4096xi32, #tpu.memory_space<vmem>>, vector<16xi32>,
        %add3A_74 = arith.addi %add3A_69, %get3A_73 : vector<16xi32>
        %add3A_75 = arith.constant 48 : i32
        %add3A_76 = arith.addi %mul3A_62, %add3A_75 : i32
        %get3A_77 = arith.index_cast %add3A_76 : i32 to index
        %get3A_78 = tpu.vector_load %arg4[%get3A_77] {strides = array<i32>} : memref<4096xi32, #tpu.memory_space<vmem>>, vector<16xi32>,
        %add3A_79 = arith.addi %add3A_74, %get3A_78 : vector<16xi32>
        scf.yield %add3A_79 : vector<16xi32>
      }
      %scan3A_41 = arith.constant 64 : i32
      %reduce_sum3A = arith.constant true
      %reduce_sum3A_42 = vector.broadcast %reduce_sum3A : i1 to vector<16xi1>
      %reduce_sum3A_43 = tpu.scan <sum>, %scan3A_40 masked %reduce_sum3A_42 : vector<16xi32>, vector<16xi1> -> vector<16xi32>
      %reduce_sum3A_44 = vector.extract %reduce_sum3A_43[15] : i32 from vector<16xi32>
      %sub3A_45 = arith.constant 4096 : i32
      %sub3A_46 = arith.subi %sub3A_45, %reduce_sum3A_44 : i32
      %iota3A = tpu.iota {dimensions = array<i32: 0>} : vector<16xi32>
      %eq3A_47 = arith.constant 0 : i32
      %eq3A_48 = vector.broadcast %eq3A_47 : i32 to vector<16xi32>
      %eq3A_49 = arith.cmpi eq, %iota3A, %eq3A_48 : vector<16xi32>
      %add3A_50 = arith.constant 2 : i32
      %add3A_51 = arith.addi %sub3A_46, %add3A_50 : i32
      %jit3A_52 = arith.constant 0 : i32
      %broadcast_in_dim3A_53 = vector.broadcast %add3A_51 : i32 to vector<16xi32>
      %broadcast_in_dim3A_54 = vector.broadcast %jit3A_52 : i32 to vector<16xi32>
      %select_n3A_55 = arith.select %eq3A_49, %broadcast_in_dim3A_53, %broadcast_in_dim3A_54 : vector<16xi1>, vector<16xi32>
      %swap3A = arith.constant 0 : index
      %swap3A_56 = tpu.vector_load %arg5[%swap3A] {strides = array<i32>} : memref<16xi32, #tpu.memory_space<vmem>>, vector<16xi32>,
      tpu.vector_store %arg5[%swap3A], %select_n3A_55 {strides = array<i32>} : memref<16xi32, #tpu.memory_space<vmem>>, vector<16xi32>,
      %mul3A_57 = arith.constant 8 : i32
      %mul3A_58 = arith.muli %select_n3A, %mul3A_57 : i32
      "tpu.region"() ({
        %run_scoped3A = tpu.sem_alloc : memref<!tpu.dma_semaphore, #tpu.memory_space<semaphore_mem>>
        %dma_start3A = arith.constant 0 : i32
        %dma_start3A_59 = tpu.memref_slice %arg5[%dma_start3A] : memref<16xi32, #tpu.memory_space<vmem>> -> memref<8xi32, #tpu.memory_space<vmem>>
        %dma_start3A_60 = tpu.memref_slice %arg3[%mul3A_58] : memref<128xi32, #tpu.memory_space<hbm>> -> memref<8xi32, #tpu.memory_space<hbm>>
        %dma_start3A_61 = tpu.memref_slice %arg3[%mul3A_58] : memref<128xi32, #tpu.memory_space<hbm>> -> memref<8xi32, #tpu.memory_space<hbm>>
        %dma_start3A_62 = arith.constant 0 : i32
        %dma_start3A_63 = tpu.memref_slice %arg5[%dma_start3A_62] : memref<16xi32, #tpu.memory_space<vmem>> -> memref<8xi32, #tpu.memory_space<vmem>>
        tpu.enqueue_dma source(%dma_start3A_63 : memref<8xi32, #tpu.memory_space<vmem>>) target(%dma_start3A_61 : memref<8xi32, #tpu.memory_space<hbm>>) target_semaphore(%run_scoped3A : memref<!tpu.dma_semaphore, #tpu.memory_space<semaphore_mem>>)
        %dma_wait3A = arith.constant 0 : i32
        %dma_wait3A_64 = tpu.memref_slice %arg5[%dma_wait3A] : memref<16xi32, #tpu.memory_space<vmem>> -> memref<8xi32, #tpu.memory_space<vmem>>
        %dma_wait3A_65 = tpu.memref_slice %arg3[%mul3A_58] : memref<128xi32, #tpu.memory_space<hbm>> -> memref<8xi32, #tpu.memory_space<hbm>>
        %dma_wait3A_66 = tpu.memref_slice %arg3[%mul3A_58] : memref<128xi32, #tpu.memory_space<hbm>> -> memref<8xi32, #tpu.memory_space<hbm>>
        %dma_wait3A_67 = arith.constant 0 : i32
        %dma_wait3A_68 = tpu.memref_slice %arg5[%dma_wait3A_67] : memref<16xi32, #tpu.memory_space<vmem>> -> memref<8xi32, #tpu.memory_space<vmem>>
        tpu.wait_dma2 semaphore(%run_scoped3A : memref<!tpu.dma_semaphore, #tpu.memory_space<semaphore_mem>>) src(%dma_wait3A_68 : memref<8xi32, #tpu.memory_space<vmem>>) dst(%dma_wait3A_66 : memref<8xi32, #tpu.memory_space<hbm>>)
        tpu.yield
      }) : () -> ()
    } else {
    }
    return
  }
}

module attributes {stable_mosaic.version = 14 : i64} {
  func.func @tc_body(%arg0: i32, %arg1: i32, %arg2: memref<16xi32, #tpu.memory_space<smem>>, %arg3: memref<1x1024x1024xf32, #tpu.memory_space<vmem>>, %arg4: memref<1024xf32, #tpu.memory_space<vmem>>, %arg5: memref<1024xf32, #tpu.memory_space<vmem>>, %arg6: memref<1x1024x1024xf32, #tpu.memory_space<vmem>>, %arg7: memref<1x1024xf32, #tpu.memory_space<vmem>>) attributes {dimension_semantics = [#tpu.dimension_semantics<parallel>, #tpu.dimension_semantics<arbitrary>], iteration_bounds = array<i64: 16, 5>, scalar_prefetch = 1 : i64, scratch_operands = 1 : i64, tpu.core_type = #tpu.core_type<tc>, window_params = [{transform_indices = @transform_0, window_bounds = array<i64: 1, 1024, 1024>}, {pipeline_mode = #tpu.pipeline_mode<synchronous>, transform_indices = @transform_1, window_bounds = array<i64: 1024>}, {pipeline_mode = #tpu.pipeline_mode<synchronous>, transform_indices = @transform_2, window_bounds = array<i64: 1024>}, {transform_indices = @transform_3, window_bounds = array<i64: 1, 1024, 1024>}]} {
    %mul3A = arith.constant 1024 : i32
    %mul3A_0 = arith.muli %arg1, %mul3A : i32
    %get3A = arith.index_cast %arg0 : i32 to index
    %get3A_1 = memref.load %arg2[%get3A] : memref<16xi32, #tpu.memory_space<smem>>
    %sub3A = arith.constant 2 : i32
    %sub3A_2 = arith.subi %get3A_1, %sub3A : i32
    %add3A = arith.constant 1 : i32
    %add3A_3 = arith.addi %sub3A_2, %add3A : i32
    %add3A_4 = arith.constant 1024 : i32
    %add3A_5 = arith.addi %mul3A_0, %add3A_4 : i32
    %le3A = arith.cmpi sle, %add3A_5, %add3A_3 : i32
    %ge3A = arith.constant 1 : i32
    %ge3A_6 = arith.cmpi sge, %mul3A_0, %ge3A : i32
    %and3A = arith.andi %le3A, %ge3A_6 : i1
    %add3A_7 = arith.constant 2 : i32
    %add3A_8 = arith.addi %add3A_3, %add3A_7 : i32
    %ge3A_9 = arith.cmpi sge, %mul3A_0, %add3A_8 : i32
    %convert_element_type3A = arith.extui %and3A : i1 to i32
    %cond3A = arith.constant 0 : i32
    %cond3A_10 = arith.cmpi ne, %convert_element_type3A, %cond3A : i32
    scf.if %cond3A_10 {
      %get3A_25 = arith.constant 0 : index
      %get3A_26 = arith.constant 0 : index
      %get3A_27 = arith.constant 0 : index
      %get3A_28 = vector.load %arg3[%get3A_25, %get3A_26, %get3A_27] : memref<1x1024x1024xf32, #tpu.memory_space<vmem>>, vector<1x1024x1024xf32>
      %get3A_29 = vector.shape_cast %get3A_28 : vector<1x1024x1024xf32> to vector<1024x1024xf32>
      %get3A_30 = arith.constant 0 : index
      %get3A_31 = arith.constant 0 : index
      %get3A_32 = vector.load %arg7[%get3A_30, %get3A_31] : memref<1x1024xf32, #tpu.memory_space<vmem>>, vector<1x1024xf32>
      %slice3A = vector.extract_strided_slice %get3A_29 {offsets = [0, 0], sizes = [1023, 1024], strides = [1, 1]} : vector<1024x1024xf32> to vector<1023x1024xf32>
      %concatenate3A = tpu.concatenate %get3A_32, %slice3A in 0 : vector<1x1024xf32>, vector<1023x1024xf32> -> vector<1024x1024xf32>
      %swap3A_33 = arith.constant 0 : index
      %swap3A_34 = arith.constant 0 : index
      %swap3A_35 = arith.constant 0 : index
      %swap3A_36 = vector.load %arg6[%swap3A_33, %swap3A_34, %swap3A_35] : memref<1x1024x1024xf32, #tpu.memory_space<vmem>>, vector<1x1024x1024xf32>
      %swap3A_37 = vector.shape_cast %swap3A_36 : vector<1x1024x1024xf32> to vector<1024x1024xf32>
      %swap3A_38 = vector.shape_cast %concatenate3A : vector<1024x1024xf32> to vector<1x1024x1024xf32>
      tpu.vector_store %arg6[%swap3A_33, %swap3A_34, %swap3A_35], %swap3A_38 {strides = array<i32>} : memref<1x1024x1024xf32, #tpu.memory_space<vmem>>, vector<1x1024x1024xf32>,
    } else {
    }
    %convert_element_type3A_11 = arith.extui %ge3A_9 : i1 to i32
    %cond3A_12 = arith.constant 0 : i32
    %cond3A_13 = arith.cmpi ne, %convert_element_type3A_11, %cond3A_12 : i32
    scf.if %cond3A_13 {
      %broadcast_in_dim3A = arith.constant 0.000000e+00 : f32
      %broadcast_in_dim3A_25 = vector.broadcast %broadcast_in_dim3A : f32 to vector<1024x1024xf32>
      %swap3A_26 = arith.constant 0 : index
      %swap3A_27 = arith.constant 0 : index
      %swap3A_28 = arith.constant 0 : index
      %swap3A_29 = vector.load %arg6[%swap3A_26, %swap3A_27, %swap3A_28] : memref<1x1024x1024xf32, #tpu.memory_space<vmem>>, vector<1x1024x1024xf32>
      %swap3A_30 = vector.shape_cast %swap3A_29 : vector<1x1024x1024xf32> to vector<1024x1024xf32>
      %swap3A_31 = vector.shape_cast %broadcast_in_dim3A_25 : vector<1024x1024xf32> to vector<1x1024x1024xf32>
      tpu.vector_store %arg6[%swap3A_26, %swap3A_27, %swap3A_28], %swap3A_31 {strides = array<i32>} : memref<1x1024x1024xf32, #tpu.memory_space<vmem>>, vector<1x1024x1024xf32>,
    } else {
    }
    %or3A = arith.ori %and3A, %ge3A_9 : i1
    %not3A = arith.constant true
    %not3A_14 = arith.xori %or3A, %not3A : i1
    %convert_element_type3A_15 = arith.extui %not3A_14 : i1 to i32
    %cond3A_16 = arith.constant 0 : i32
    %cond3A_17 = arith.cmpi ne, %convert_element_type3A_15, %cond3A_16 : i32
    scf.if %cond3A_17 {
      %iota3A = tpu.iota {dimensions = array<i32: 0>} : vector<1024x1024xi32>
      %add3A_25 = vector.broadcast %mul3A_0 : i32 to vector<1024x1024xi32>
      %add3A_26 = arith.addi %add3A_25, %iota3A : vector<1024x1024xi32>
      %get3A_27 = arith.constant 0 : index
      %get3A_28 = arith.constant 0 : index
      %get3A_29 = arith.constant 0 : index
      %get3A_30 = vector.load %arg3[%get3A_27, %get3A_28, %get3A_29] : memref<1x1024x1024xf32, #tpu.memory_space<vmem>>, vector<1x1024x1024xf32>
      %get3A_31 = vector.shape_cast %get3A_30 : vector<1x1024x1024xf32> to vector<1024x1024xf32>
      %get3A_32 = arith.constant 0 : index
      %get3A_33 = arith.constant 0 : index
      %get3A_34 = vector.load %arg7[%get3A_32, %get3A_33] : memref<1x1024xf32, #tpu.memory_space<vmem>>, vector<1x1024xf32>
      %slice3A = vector.extract_strided_slice %get3A_31 {offsets = [0, 0], sizes = [1023, 1024], strides = [1, 1]} : vector<1024x1024xf32> to vector<1023x1024xf32>
      %concatenate3A = tpu.concatenate %get3A_34, %slice3A in 0 : vector<1x1024xf32>, vector<1023x1024xf32> -> vector<1024x1024xf32>
      %ge3A_35 = arith.constant 1 : i32
      %ge3A_36 = vector.broadcast %ge3A_35 : i32 to vector<1024x1024xi32>
      %ge3A_37 = arith.cmpi sge, %add3A_26, %ge3A_36 : vector<1024x1024xi32>
      %le3A_38 = vector.broadcast %sub3A_2 : i32 to vector<1024x1024xi32>
      %le3A_39 = arith.cmpi sle, %add3A_26, %le3A_38 : vector<1024x1024xi32>
      %and3A_40 = arith.andi %ge3A_37, %le3A_39 : vector<1024x1024xi1>
      %jit3A = arith.constant 0.000000e+00 : f32
      %broadcast_in_dim3A = vector.broadcast %jit3A : f32 to vector<1024x1024xf32>
      %select_n3A = arith.select %and3A_40, %concatenate3A, %broadcast_in_dim3A : vector<1024x1024xi1>, vector<1024x1024xf32>
      %eq3A = vector.broadcast %add3A_3 : i32 to vector<1024x1024xi32>
      %eq3A_41 = arith.cmpi eq, %add3A_26, %eq3A : vector<1024x1024xi32>
      %get3A_42 = arith.constant 0 : index
      %get3A_43 = vector.load %arg5[%get3A_42] : memref<1024xf32, #tpu.memory_space<vmem>>, vector<1024xf32>
      %broadcast_in_dim3A_44 = vector.shape_cast %get3A_43 : vector<1024xf32> to vector<1x1024xf32>
      %broadcast_in_dim3A_45 = vector.shape_cast %broadcast_in_dim3A_44 : vector<1x1024xf32> to vector<1x1024xf32>
      %broadcast_in_dim3A_46 = vector.broadcast %broadcast_in_dim3A_45 : vector<1x1024xf32> to vector<1024x1024xf32>
      %select_n3A_47 = arith.select %eq3A_41, %broadcast_in_dim3A_46, %select_n3A : vector<1024x1024xi1>, vector<1024x1024xf32>
      %eq3A_48 = arith.constant 0 : i32
      %eq3A_49 = vector.broadcast %eq3A_48 : i32 to vector<1024x1024xi32>
      %eq3A_50 = arith.cmpi eq, %add3A_26, %eq3A_49 : vector<1024x1024xi32>
      %get3A_51 = arith.constant 0 : index
      %get3A_52 = vector.load %arg4[%get3A_51] : memref<1024xf32, #tpu.memory_space<vmem>>, vector<1024xf32>
      %broadcast_in_dim3A_53 = vector.shape_cast %get3A_52 : vector<1024xf32> to vector<1x1024xf32>
      %broadcast_in_dim3A_54 = vector.shape_cast %broadcast_in_dim3A_53 : vector<1x1024xf32> to vector<1x1024xf32>
      %broadcast_in_dim3A_55 = vector.broadcast %broadcast_in_dim3A_54 : vector<1x1024xf32> to vector<1024x1024xf32>
      %select_n3A_56 = arith.select %eq3A_50, %broadcast_in_dim3A_55, %select_n3A_47 : vector<1024x1024xi1>, vector<1024x1024xf32>
      %swap3A_57 = arith.constant 0 : index
      %swap3A_58 = arith.constant 0 : index
      %swap3A_59 = arith.constant 0 : index
      %swap3A_60 = vector.load %arg6[%swap3A_57, %swap3A_58, %swap3A_59] : memref<1x1024x1024xf32, #tpu.memory_space<vmem>>, vector<1x1024x1024xf32>
      %swap3A_61 = vector.shape_cast %swap3A_60 : vector<1x1024x1024xf32> to vector<1024x1024xf32>
      %swap3A_62 = vector.shape_cast %select_n3A_56 : vector<1024x1024xf32> to vector<1x1024x1024xf32>
      tpu.vector_store %arg6[%swap3A_57, %swap3A_58, %swap3A_59], %swap3A_62 {strides = array<i32>} : memref<1x1024x1024xf32, #tpu.memory_space<vmem>>, vector<1x1024x1024xf32>,
    } else {
    }
    %get3A_18 = arith.constant 0 : index
    %get3A_19 = arith.constant 1023 : index
    %get3A_20 = arith.constant 0 : index
    %get3A_21 = vector.load %arg3[%get3A_18, %get3A_19, %get3A_20] : memref<1x1024x1024xf32, #tpu.memory_space<vmem>>, vector<1x1x1024xf32>
    %get3A_22 = vector.shape_cast %get3A_21 : vector<1x1x1024xf32> to vector<1x1024xf32>
    %swap3A = arith.constant 0 : index
    %swap3A_23 = arith.constant 0 : index
    %swap3A_24 = vector.load %arg7[%swap3A, %swap3A_23] : memref<1x1024xf32, #tpu.memory_space<vmem>>, vector<1x1024xf32>
    tpu.vector_store %arg7[%swap3A, %swap3A_23], %get3A_22 {strides = array<i32>} : memref<1x1024xf32, #tpu.memory_space<vmem>>, vector<1x1024xf32>,
    return
  }
  func.func @transform_0(%arg0: i32, %arg1: i32, %arg2: memref<16xi32, #tpu.memory_space<smem>>) -> (i32, i32, i32) {
    %mul3A = arith.constant 1024 : i32
    %mul3A_0 = arith.muli %arg1, %mul3A : i32
    %get3A = arith.index_cast %arg0 : i32 to index
    %get3A_1 = memref.load %arg2[%get3A] : memref<16xi32, #tpu.memory_space<smem>>
    %add3A = arith.constant 1 : i32
    %add3A_2 = arith.addi %get3A_1, %add3A : i32
    %ge3A = arith.cmpi sge, %mul3A_0, %add3A_2 : i32
    %get3A_3 = arith.index_cast %arg0 : i32 to index
    %get3A_4 = memref.load %arg2[%get3A_3] : memref<16xi32, #tpu.memory_space<smem>>
    %sub3A = arith.constant 1 : i32
    %sub3A_5 = arith.subi %get3A_4, %sub3A : i32
    %jit3A = arith.constant 1024 : i32
    %div3A = arith.divsi %sub3A_5, %jit3A : i32
    %sign3A = arith.constant 0 : i32
    %sign3A_6 = arith.cmpi sgt, %sub3A_5, %sign3A : i32
    %sign3A_7 = arith.extui %sign3A_6 : i1 to i32
    %sign3A_8 = arith.constant 0 : i32
    %sign3A_9 = arith.cmpi slt, %sub3A_5, %sign3A_8 : i32
    %sign3A_10 = arith.extui %sign3A_9 : i1 to i32
    %sign3A_11 = arith.subi %sign3A_7, %sign3A_10 : i32
    %sign3A_12 = arith.constant 0 : i32
    %sign3A_13 = arith.cmpi sgt, %jit3A, %sign3A_12 : i32
    %sign3A_14 = arith.extui %sign3A_13 : i1 to i32
    %sign3A_15 = arith.constant 0 : i32
    %sign3A_16 = arith.cmpi slt, %jit3A, %sign3A_15 : i32
    %sign3A_17 = arith.extui %sign3A_16 : i1 to i32
    %sign3A_18 = arith.subi %sign3A_14, %sign3A_17 : i32
    %ne3A = arith.cmpi ne, %sign3A_11, %sign3A_18 : i32
    %rem3A = arith.remsi %sub3A_5, %jit3A : i32
    %ne3A_19 = arith.constant 0 : i32
    %ne3A_20 = arith.cmpi ne, %rem3A, %ne3A_19 : i32
    %and3A = arith.andi %ne3A, %ne3A_20 : i1
    %sub3A_21 = arith.constant 1 : i32
    %sub3A_22 = arith.subi %div3A, %sub3A_21 : i32
    %select_n3A = arith.select %and3A, %sub3A_22, %div3A : i32
    %min3A = arith.constant 3 : i32
    %min3A_23 = arith.minsi %select_n3A, %min3A : i32
    %min3A_24 = arith.constant 3 : i32
    %min3A_25 = arith.minsi %arg1, %min3A_24 : i32
    %select_n3A_26 = arith.select %ge3A, %min3A_23, %min3A_25 : i32
    %c0_i32 = arith.constant 0 : i32
    %c0_i32_27 = arith.constant 0 : i32
    return %arg0, %select_n3A_26, %c0_i32 : i32, i32, i32
  }
  func.func @transform_1(%arg0: i32, %arg1: i32, %arg2: memref<16xi32, #tpu.memory_space<smem>>) -> i32 {
    %c0_i32 = arith.constant 0 : i32
    %c0_i32_0 = arith.constant 0 : i32
    return %c0_i32 : i32
  }
  func.func @transform_2(%arg0: i32, %arg1: i32, %arg2: memref<16xi32, #tpu.memory_space<smem>>) -> i32 {
    %c0_i32 = arith.constant 0 : i32
    %c0_i32_0 = arith.constant 0 : i32
    return %c0_i32 : i32
  }
  func.func @transform_3(%arg0: i32, %arg1: i32, %arg2: memref<16xi32, #tpu.memory_space<smem>>) -> (i32, i32, i32) {
    %c0_i32 = arith.constant 0 : i32
    %c0_i32_0 = arith.constant 0 : i32
    return %arg0, %arg1, %c0_i32 : i32, i32, i32
  }
}

</mosaic_0001>

<sc_bundles>
// kernel: kernel.4.cloned.1.call-start
scs
__scs_entry_jumppad:
0x0: {  	(pc) =	sbr.rel $0x88, $3  }
0x1: {  	(tag) =	ssettag $0x0;
	lr =	simm.s32 $0x1  }
0x2: {  	[smem:$0x3F9D] =	sst lr;
	_ =	strace $0xD0000000  }
0x3: {  	_ = 	snop  }
0x4: {  	_ = 	snop  }
0x5: {  	_ = 	snop  }
0x6: {  	_ = 	snop  }
0x7: {  	_ = 	snop  }
__scs_overlays_trampoline_lowered:
0x8: {  	[smem:$0x3FAC] =	sst s0  }
0x9: {  	[smem:$0x3FAD] =	sst s1  }
0xa: {  	[smem:$0x3FAE] =	sst s2  }
0xb: {  	[smem:$0x3FAF] =	sst s3  }
0xc: {  	[smem:$0x3FB0] =	sst s4  }
0xd: {  	[smem:$0x3FB1] =	sst s5  }
0xe: {  	[smem:$0x3FB2] =	sst s6  }
0xf: {  	[smem:$0x3FB3] =	sst s7  }
0x10: {  	[smem:$0x3FB4] =	sst s8  }
0x11: {  	[smem:$0x3FB5] =	sst s9;
	s0 =	simm.s32 @!p0 $0x0  }
0x12: {  	s1 =	sld [smem:$0x3F9B];
	s0 =	simm.s32 @p0 $0x1  }
0x13: {  	[smem:$0x3FB6] =	sst s0;
	s0 =	simm.s32 @!p1 $0x0  }
0x14: {  	s2 =	sld [smem:$0x3F9A];
	s0 =	simm.s32 @p1 $0x1  }
0x15: {  	[smem:$0x3FB7] =	sst s0;
	s0 =	simm.s32 @!p2 $0x0  }
0x16: {  	s3 =	sld [smem:$0x3FDB];
	s0 =	simm.s32 @p2 $0x1  }
0x17: {  	s4 =	simm.s32 $0x1BF5;
	[smem:$0x3FB9] =	sst s0  }
0x18: {  	s0 =	sld [smem:$0x3F9C];
	_ =	swait.ge [sflag:s4], $0x0  }
0x19: {  	s7 =	sld [smem:$0x3F9D]  }
0x1a: {  	s8 =	sadd.s32 $0xFFFFE003, lr  }
0x1b: {  	s9 =	sadd.s32 $0xFFFFFEF7, lr;
	s5 =	simm.s32 $0xFFFFFFFF;
	p2 =	slt.u32 s8, $0xFFFFF086  }
0x1c: {  	p1 =	slt.u32 s9, $0xF7A;
	s5 =	simm.s32 @!p2 $0x0  }
0x1d: {  	s5 =	simm.s32 @p1 $0x1;
	p0 =	seq.s32 s7, s2  }
0x1e: {  	s7 =	smul.u32 @!p0 $0xF7A, s2;
	p2 =	seq.s32 @!p0 s5, $0x0  }
0x1f: {  	s9 =	smul.u32 $0xF7A, s1;
	s8 =	simm.s32 @!p0 $0x1BF5;
	p2 =	por !p2, p0  }
0x20: {  	[sflag:s8] =	ssyncset.s32 @!p0 $0xFFFFF086;
	s6 =	sadd.s32 @!p0 s3, s7;
	s7 =	simm.s32 @!p0 $0x108  }
0x21: {  	s3 =	sadd.s32 s3, s9;
	s6 =	sadd.s32 @!p0 $0x88, s6;
	s7 =	simm.s32 @p2 $0x1082  }
0x22: {  	[simem:s7], [sflag:s8] =	dma.local @!p0 [hbm:s6], $0xF7A  }
0x23: {  	s9 =	sor.u32 $0xD0000000, s2;
	s6 =	simm.s32 $0x108;
	_ =	swait.ge @!p0 [sflag:s8], $0x0  }
0x24: {  	s3 =	sadd.s32 $0x88, s3;
	s6 =	simm.s32 @!p1 $0x1082;
	[sflag:s4] =	ssyncset.s32 $0xFFFFF086  }
0x25: {  	[simem:s6], [sflag:s4] =	dma.local [hbm:s3], $0xF7A  }
0x26: {  	[smem:$0x3F9D] =	sst s1;
	(tag) =	ssettag s2;
	_ =	strace s9  }
0x27: {  	s1 =	sld [smem:$0x3FAD]  }
0x28: {  	s2 =	sld [smem:$0x3FAE]  }
0x29: {  	s4 =	sld [smem:$0x3FB0]  }
0x2a: {  	p0 =	seq.s32 s5, $0x0;
	s5 =	sld [smem:$0x3FB1]  }
0x2b: {  	s6 =	sld [smem:$0x3FB2]  }
0x2c: {  	s7 =	sld [smem:$0x3FB3]  }
0x2d: {  	s3 =	simm.s32 $0x108;
	s8 =	sld [smem:$0x3FB4]  }
0x2e: {  	s3 =	simm.s32 @!p0 $0x1082;
	s9 =	sld [smem:$0x3FB5]  }
0x2f: {  	lr =	sadd.s32 s0, s3;
	s0 =	sld [smem:$0x3FAC]  }
0x30: {  	s3 =	sld [smem:$0x3FAF]  }
0x31: {  	[smem:$0x3FB8] =	sst s10  }
0x32: {  	s10 =	sld [smem:$0x3FB6];
	_ =	sdelay $0x3  }
0x33: {  	p0 =	seq.s32 s10, $0x1;
	s10 =	sld [smem:$0x3FB8];
	_ =	sdelay $0x3  }
0x34: {  	[smem:$0x3FB8] =	sst s10  }
0x35: {  	s10 =	sld [smem:$0x3FB7];
	_ =	sdelay $0x3  }
0x36: {  	p1 =	seq.s32 s10, $0x1;
	s10 =	sld [smem:$0x3FB8];
	_ =	sdelay $0x3  }
0x37: {  	[smem:$0x3FB8] =	sst s10  }
0x38: {  	s10 =	sld [smem:$0x3FB9]  }
0x39: {  	_ = 	snop;
	(pc) =	sbr.ind lr, $3  }
0x3a: {  	_ = 	snop  }
0x3b: {  	_ = 	snop  }
0x3c: {  	p2 =	seq.s32 s10, $0x1;
	s10 =	sld [smem:$0x3FB8]  }
0x3d: {  	_ =	shalt  }
0x3e: {  	_ =	shalt  }
0x3f: {  	_ =	shalt  }
0x40: {  	_ =	shalt  }
0x41: {  	_ =	shalt  }
0x42: {  	_ =	shalt  }
0x43: {  	_ =	shalt  }
0x44: {  	_ =	shalt  }
0x45: {  	_ =	shalt  }
0x46: {  	_ =	shalt  }
0x47: {  	_ =	shalt  }
0x48: {  	_ =	shalt  }
0x49: {  	_ =	shalt  }
0x4a: {  	_ =	shalt  }
0x4b: {  	_ =	shalt  }
0x4c: {  	_ =	shalt  }
0x4d: {  	_ =	shalt  }
0x4e: {  	_ =	shalt  }
0x4f: {  	_ =	shalt  }
0x50: {  	_ =	shalt  }
0x51: {  	_ =	shalt  }
0x52: {  	_ =	shalt  }
0x53: {  	_ =	shalt  }
0x54: {  	_ =	shalt  }
0x55: {  	_ =	shalt  }
0x56: {  	_ =	shalt  }
0x57: {  	_ =	shalt  }
0x58: {  	_ =	shalt  }
0x59: {  	_ =	shalt  }
0x5a: {  	_ =	shalt  }
0x5b: {  	_ =	shalt  }
0x5c: {  	_ =	shalt  }
0x5d: {  	_ =	shalt  }
0x5e: {  	_ =	shalt  }
0x5f: {  	_ =	shalt  }
0x60: {  	_ =	shalt  }
0x61: {  	_ =	shalt  }
0x62: {  	_ =	shalt  }
0x63: {  	_ =	shalt  }
0x64: {  	_ =	shalt  }
0x65: {  	_ =	shalt  }
0x66: {  	_ =	shalt  }
0x67: {  	_ =	shalt  }
0x68: {  	_ =	shalt  }
0x69: {  	_ =	shalt  }
0x6a: {  	_ =	shalt  }
0x6b: {  	_ =	shalt  }
0x6c: {  	_ =	shalt  }
0x6d: {  	_ =	shalt  }
0x6e: {  	_ =	shalt  }
0x6f: {  	_ =	shalt  }
0x70: {  	_ =	shalt  }
0x71: {  	_ =	shalt  }
0x72: {  	_ =	shalt  }
0x73: {  	_ =	shalt  }
0x74: {  	_ =	shalt  }
0x75: {  	_ =	shalt  }
0x76: {  	_ =	shalt  }
0x77: {  	_ =	shalt  }
0x78: {  	_ =	shalt  }
0x79: {  	_ =	shalt  }
0x7a: {  	_ =	shalt  }
0x7b: {  	_ =	shalt  }
0x7c: {  	_ =	shalt  }
0x7d: {  	_ =	shalt  }
0x7e: {  	_ =	shalt  }
0x7f: {  	_ =	shalt  }
0x80: {  	_ =	shalt  }
0x81: {  	_ =	shalt  }
0x82: {  	_ =	shalt  }
0x83: {  	_ =	shalt  }
0x84: {  	_ =	shalt  }
0x85: {  	_ =	shalt  }
0x86: {  	_ =	shalt  }
0x87: {  	_ =	shalt  }
.Lfunc_end0:
.L_simem_size_0:
called_computation_lowered:
.L_overlay_start_0:
0x88: {  	s2 =	sld [smem:$0x3FD9]  }
0x89: {  	s3 =	sld [smem:$0x3FFE];
	_ =	sdelay $0x1  }
0x8a: {  	s1 =	srdreg.scid  }
0x8b: {  	s0 =	sand.u32 $0x1, s1  }
0x8c: {  	s15 =	sshll.u32 s0, $0xA;
	s2 =	sadd.s32 s3, s2  }
0x8d: {  	s2 =	sadd.s32 s2, s15  }
0x8e: {  	[smem:$0x3FC4] =	sst s2  }
0x8f: {  	_ = 	snop  }
0x90: {  	s2 =	sld [smem:$0x3FD0];
	_ =	sdelay $0x2  }
0x91: {  	s16 =	simm.s32 $0xA;
	s4 =	simm.s32 $0x10  }
0x92: {  	[smem:s4], [sflag:s16] =	dma.local [hbm:s2], $0x1  }
0x93: {  	_ =	swait.eq [sflag:s16], $0x1  }
0x94: {  	[sflag:s16] =	ssyncset.done $0x0  }
0x95: {  	s17 =	sld [smem:$0x10];
	[sflag:s16] =	ssyncadd.s32 $0xFFFFFFFF  }
0x96: {  	s18 =	sld [smem:$0x12];
	(tm) =	ssettm $0x1  }
0x97: {  	s19 =	sld [smem:$0x3FFB];
	_ =	sdelay $0x3  }
0x98: {  	_ =	strace s19  }
0x99: {  	s4 =	sld [smem:$0x3FFC];
	_ =	sdelay $0x3  }
0x9a: {  	_ =	strace s4  }
0x9b: {  	s4 =	sld [smem:$0x3FFD];
	_ =	sdelay $0x3  }
0x9c: {  	_ =	strace s4  }
0x9d: {  	_ =	strace $0x8FFFFFFF  }
0x9e: {  	s20 =	sld [smem:$0x3FDB];
	_ =	sdelay $0x1  }
0x9f: {  	s5 =	simm.s32 $_scs_section_size  }
0xa0: {  	s6 =	simm.s32 $_size__tile_overlayer_lowered;
	s7 =	simm.s32 $_tile_overlayer_lowered  }
0xa1: {  	s23 =	simm.s32 $0x1BFF;
	s22 =	sshll.u32 s7, $0x1;
	s4 =	sadd.s32 s5, s20  }
0xa2: {  	s8 =	simm.s32 $0x0;
	s21 =	sshll.u32 s6, $0x1;
	s6 =	sadd.s32 s22, s4  }
0xa3: {  	[timem:s8], [sflag:s23] =	dma.local [hbm:s6], s21  }
0xa4: {  	_ =	swait.ge [sflag:s23], s21  }
0xa5: {  	s5 =	ssub.s32 $0x0, s21;
	[sflag:s23] =	ssyncset.done $0x0  }
0xa6: {  	[sflag:s23] =	ssyncadd.s32 s5;
	_ =	sdelay $0x1  }
0xa7: {  	s24 =	simm.s32 $0x1B8B  }
0xa8: {  	_ =	swait.ge [sflag:s24], $0x1  }
0xa9: {  	[sflag:s24] =	ssyncset.done $0x0  }
0xaa: {  	s25 =	simm.s32 $0x1B8E;
	[sflag:s24] =	ssyncadd.s32 $0xFFFFFFFF  }
0xab: {  	s26 =	simm.s32 $execute0_lowered;
	[smem:$0x3FD2] =	sst s25  }
0xac: {  	s5 =	sshll.u32 s26, $0x1;
	_ =	strace $0x80000046;
	[dreg:$0x1] =	wrdreg $0xFFFFFFFF  }
0xad: {  	s28 =	simm.s32 $_size_execute0_lowered;
	s4 =	sadd.s32 s4, s5;
	[dreg:$0x0] =	wrdreg $0x0  }
0xae: {  	s5 =	sshll.u32 s28, $0x1;
	[dreg:$0x2] =	wrdreg s4  }
0xaf: {  	[dreg:$0x3] =	wrdreg s5  }
0xb0: {  	[dreg:$0x4] =	wrdreg $0xC0  }
0xb1: {  	_ =	task [dreg:s8], $0x5FFFF  }
0xb2: {  	[dreg:$0x1] =	wrdreg $0xFFFFFFFF  }
0xb3: {  	[dreg:$0x0] =	wrdreg $0x60  }
0xb4: {  	[dreg:$0x2] =	wrdreg s17  }
0xb5: {  	[dreg:$0x3] =	wrdreg s18  }
0xb6: {  	[dreg:$0x4] =	wrdreg $0x9  }
0xb7: {  	_ =	task.clear_ibuf [dreg:s8], $0x5FFFF;
	_ =	strace $0x90000046  }
0xb8: {  	s29 =	simm.s32 $0x9;
	_ =	strace $0x80000048  }
0xb9: {  	_ =	swait.ge [sflag:s29], $0x1  }
0xba: {  	[sflag:s29] =	ssyncadd.s32 $0xFFFFFFFF  }
0xbb: {  	_ =	strace $0x90000048  }
0xbc: {  	_ =	sfence  }
0xbd: {  	s30 =	sld [smem:$0x0];
	_ =	sdelay $0x2  }
0xbe: {  	s31 =	sshll.u32 s1, $0xD;
	s1 =	sshrl.u32 s1, $0x2  }
0xbf: {  	s3 =	sand.u32 $0x4000, s31;
	s1 =	sadd.s32 s1, s30  }
0xc0: {  	s0 =	sor.u32 s3, s0;
	s1 =	sshll.u32 s1, $0x11  }
0xc1: {  	s0 =	sor.u32 s1, s0  }
0xc2: {  	s0 =	sadd.s32 $0x8F2B, s0  }
0xc3: {  	[sflag:s0] =	ssyncadd.remote.s32 $0x1  }
0xc4: {  	_ =	sfence.sel $0xFFFF  }
0xc5: {  	[dreg:$0x0] =	wrdreg $0xFFFFFFFF;
	(pc) =	sbr.abs _section_cstart, $3  }
0xc6: {  	[dreg:$0x1] =	wrdreg $0xFFFFFFFF  }
0xc7: {  	_ =	task.clear_ibuf [dreg:s8], $0x2FFFF;
	_ =	strace $0x9FFFFFFF  }
0xc8: {  	(tm) =	ssettm $0x7FFFFFFF  }
0xc9: {  	_ =	shalt  }
tec
execute0_lowered:
.L_overlay_start_1:
0x0: {  	(tag) =	ssettag $0x1  }
0x1: {  	s1 =	srdreg.scid  }
0x2: {  	s1 =	sand.u32 $0x1, s1  }
0x3: {  	p0 =	seq.s32 s1, $0x1  }
.Ltmp0:
0x4: {  	_ = 	snop;
	(pc) =	sbr.rel @p0 .LBB2_4-.Ltmp0, $4  }
0x5: {  	s3 =	rddreg [dreg:$0x0]  }
0x6: {  	s2 =	rddreg [dreg:$0x1];
	s4 =	simm.s32 $0x0  }
0x7: {  	[smem:$0x7FF] =	sst s4  }
0x8: {  	s0 =	rddreg [dreg:$0x2];
	_ =	strace $0x80000047;
	s1 =	stileid.u32  }
0x9: {  	s5 =	sshll.u32 s1, $0x9  }
0xa: {  	s30 =	simm.s32 $0x1;
	s3 =	sadd.s32 s3, s5  }
0xb: {  	[tilespmem:s4], [sflag:$0x1] =	stream.linear.gather [hbm4b:s3+s4], $0x1000, $0x38;
	[tilespmem:$0x1080] =	vst v63  }
0xc: {  	_ =	swait.ge [sflag:s30], $0x1000  }
0xd: {  	[sflag:s30] =	ssyncset.done $0x0  }
0xe: {  	s31 =	simm.s32 $0x0;
	[sflag:s30] =	ssyncadd.s32 $0xFFFFF000  }
0xf: {  	v0 =	vld [tilespmem:s31+$0x0]  }
0x10: {  	v1 =	vld [tilespmem:s31+$0x10]  }
0x11: {  	v2 =	vld [tilespmem:s31+$0x20]  }
0x12: {  	s2 =	sadd.s32 s2, s1;
	v4 =	vimm.s32 $0x0;
	s3 =	simm.s32 $0x100;
	v3 =	vld [tilespmem:s31+$0x30]  }
.LBB2_2:
0x13: {  	p0 =	sne.s32 s3, $0x3F00  }
.Ltmp1:
0x14: {  	s4 =	sshra.s32 s3, $0x2;
	s3 =	sadd.s32 $0x100, s3;
	v4 =	vadd.s32 v4, v0;
	(pc) =	sbr.rel @p0 .LBB2_2-.Ltmp1, $4  }
0x15: {  	v0 =	vld [tilespmem:s4+$0x0];
	v4 =	vadd.s32 v1, v4  }
0x16: {  	v1 =	vld [tilespmem:s4+$0x10];
	v4 =	vadd.s32 v2, v4  }
0x17: {  	v2 =	vld [tilespmem:s4+$0x20];
	v4 =	vadd.s32 v3, v4  }
0x18: {  	v3 =	vld [tilespmem:s4+$0x30]  }
0x19: {  	_ = 	snop  }
0x1a: {  	v0 =	vadd.s32 v4, v0  }
0x1b: {  	v0 =	vadd.s32 v1, v0  }
0x1c: {  	v0 =	vadd.s32 v2, v0  }
0x1d: {  	v0 =	vadd.s32 v3, v0  }
0x1e: {  	(xrf0) =	vadd.scan.msk.s32 $0xffff, v0;
	_ =	sdelay $0x5  }
0x1f: {  	v0, _, _ =	vpop (xrf0)  }
0x20: {  	(v2sf) =	vpush v0, $0xF;
	_ =	sdelay $0xe  }
0x21: {  	s3 =	spop (v2sf)  }
0x22: {  	s3 =	ssub.s32 $0x1002, s3  }
0x23: {  	vm0 =	vcmask $0x300;
	v63 =	vmov s3  }
0x24: {  	v0 =	vnsel vm0, $0x0, v63  }
0x25: {  	s30 =	simm.s32 $0x0;
	s4 =	simm.s32 $0x1000;
	s31 =	simm.s32 $0x1;
	[tilespmem:$0x1000] =	vst v0  }
0x26: {  	[hbm4b:s2+s30] =	stream.linear.scatter [tilespmem:s4], [sflag:$0x1], $0x8, $0x38;
	[tilespmem:$0x1080] =	vst v63  }
0x27: {  	_ =	swait.ge [sflag:s31], $0x8  }
0x28: {  	[sflag:s31] =	ssyncset.done $0x0  }
0x29: {  	[sflag:s31] =	ssyncadd.s32 $0xFFFFFFF8  }
.LBB2_4:
0x2a: {  	_ =	sfence.sel $0x180000  }
0x2b: {  	[bflag:$0x0] =	sbarrier.arrive $0xFFFF  }
0x2c: {  	p0 =	sne.s32 s1, $0x0;
	_ =	strace $0x90000047  }
0x2d: {  	s0 =	sadd.s32 @!p0 $0x100000, s0;
	[bflag:$0x2] =	sbarrier.arrive $0xFFFF  }
0x2e: {  	[sflag:s0] =	ssyncadd.tile.s32 @!p0 $0x1;
	_ =	shalt  }
.Lfunc_end2:
_tile_overlayer_lowered:
.L_overlay_start_2:
0x2f: {  	(tag) =	ssettag $0x2  }
0x30: {  	s0 =	rddreg [dreg:$0x0];
	s2 =	stileid.u32  }
0x31: {  	s1 =	rddreg [dreg:$0x1];
	p0 =	sne.s32 s2, $0x0  }
0x32: {  	s3 =	rddreg [dreg:$0x2];
	[bflag:$0x3] =	sbarrier.arrive $0xFFFF;
	s2 =	simm.s32 @!p0 $0x1C01  }
0x33: {  	[timem:s3], [sflag:s2] =	dma.local @!p0 [hbm:s0], s1  }
0x34: {  	s0 =	simm.s32 @!p0 $0x1  }
0x35: {  	_ =	swait.ge @!p0 [sflag:s0], s1  }
0x36: {  	s1 =	ssub.s32 @!p0 $0x0, s1;
	[sflag:s0] =	ssyncset.done @!p0 $0x0  }
0x37: {  	[sflag:s0] =	ssyncadd.s32 @!p0 s1  }
0x38: {  	[bflag:$0x3] =	sbarrier.arrive $0xFFFF  }
0x39: {  	_ =	shalt  }

</sc_bundles>
